<compile_context>
chip_gen: v7x
topology: tpu7x:2x2x1
jax: 0.10.2.dev20260603
libtpu: 0.0.44.dev20260713+nightly
codegen_flags: <defaults>
</compile_context>

<pallas_src>
import functools

import jax
import jax.numpy as jnp
from jax import lax
from jax.experimental import pallas as pl
from jax.experimental.pallas import tpu as pltpu
from jax.experimental.pallas import tpu_sc as plsc

N = 10000
D = 128
E = 320000

NC = 2
NS = 16
NW = NC * NS
CHUNK = 128
PER_W = -(-E // (NW * CHUNK)) * CHUNK
K = PER_W // CHUNK
E_PAD = PER_W * NW
STRIPE = 632
STRIPE_LAST = N - STRIPE * (NS - 1)
N_PAD = N + 8

ROW_BLK = 1000


def _sc_aggregate(x, rows_r, cols_r):
    mesh = plsc.VectorSubcoreMesh(
        core_axis_name="c", subcore_axis_name="s",
        num_cores=NC, num_subcores=NS)

    @functools.partial(
        pl.kernel,
        out_type=jax.ShapeDtypeStruct((NC, N, D), jnp.float32),
        mesh=mesh,
        scratch_types=[
            pltpu.VMEM((K, CHUNK), jnp.int32),
            pltpu.VMEM((K, CHUNK), jnp.int32),
            pltpu.VMEM((CHUNK, D), jnp.float32),
            pltpu.VMEM_SHARED((N_PAD, D), jnp.float32),
            pltpu.SemaphoreType.DMA,
        ],
    )
    def agg_kernel(x_hbm, rows_hbm, cols_hbm, out_hbm,
                   row_v, col_v, buf, agg_sh, sem):
        c = lax.axis_index("c")
        s = lax.axis_index("s")
        pltpu.sync_copy(rows_hbm.at[c, s], row_v)
        pltpu.sync_copy(cols_hbm.at[c, s], col_v)
        off = pl.multiple_of(s * STRIPE, 8)

        @pl.when(s < NS - 1)
        def _():
            pltpu.sync_copy(x_hbm.at[pl.ds(off, STRIPE)],
                            agg_sh.at[pl.ds(off, STRIPE)])

        @pl.when(s == NS - 1)
        def _():
            pltpu.sync_copy(x_hbm.at[pl.ds((NS - 1) * STRIPE, STRIPE_LAST)],
                            agg_sh.at[pl.ds((NS - 1) * STRIPE, STRIPE_LAST)])

        plsc.subcore_barrier()

        @pl.loop(0, K)
        def _(j):
            pltpu.async_copy(x_hbm.at[col_v.at[j]], buf, sem).wait()
            pltpu.sync_copy(buf, agg_sh.at[row_v.at[j]], add=True)

        plsc.subcore_barrier()

        @pl.when(s < NS - 1)
        def _():
            pltpu.sync_copy(agg_sh.at[pl.ds(off, STRIPE)],
                            out_hbm.at[c, pl.ds(off, STRIPE)])

        @pl.when(s == NS - 1)
        def _():
            pltpu.sync_copy(
                agg_sh.at[pl.ds((NS - 1) * STRIPE, STRIPE_LAST)],
                out_hbm.at[c, pl.ds((NS - 1) * STRIPE, STRIPE_LAST)])

    return agg_kernel(x, rows_r, cols_r)


def _mlp_block(x_ref, a0_ref, a1_ref, w1_ref, b1_ref, w2_ref, b2_ref, o_ref):
    a = a0_ref[0] + a1_ref[0] - x_ref[...]
    h = jnp.dot(a, w1_ref[...], preferred_element_type=jnp.float32,
                precision=lax.Precision.HIGHEST) + b1_ref[...]
    h = jnp.maximum(h, 0.0)
    o_ref[...] = jnp.dot(h, w2_ref[...], preferred_element_type=jnp.float32,
                         precision=lax.Precision.HIGHEST) + b2_ref[...]


def _tc_mlp(x, agg, W1, b1, W2, b2):
    nb = N // ROW_BLK
    return pl.pallas_call(
        _mlp_block,
        grid=(nb,),
        in_specs=[
            pl.BlockSpec((ROW_BLK, D), lambda i: (i, 0)),
            pl.BlockSpec((1, ROW_BLK, D), lambda i: (0, i, 0)),
            pl.BlockSpec((1, ROW_BLK, D), lambda i: (1, i, 0)),
            pl.BlockSpec((D, D), lambda i: (0, 0)),
            pl.BlockSpec((1, D), lambda i: (0, 0)),
            pl.BlockSpec((D, D), lambda i: (0, 0)),
            pl.BlockSpec((1, D), lambda i: (0, 0)),
        ],
        out_specs=pl.BlockSpec((ROW_BLK, D), lambda i: (i, 0)),
        out_shape=jax.ShapeDtypeStruct((N, D), jnp.float32),
    )(x, agg, agg, W1, b1.reshape(1, D), W2, b2.reshape(1, D))


def kernel(x, edge_index, W1, b1, W2, b2):
    rows = edge_index[:, 0]
    cols = edge_index[:, 1]
    pad = E_PAD - E
    rows_p = jnp.concatenate(
        [rows, jnp.full((pad,), N, dtype=jnp.int32)]
    ).reshape(NC, NS, K, CHUNK)
    cols_p = jnp.concatenate(
        [cols, jnp.zeros((pad,), dtype=jnp.int32)]
    ).reshape(NC, NS, K, CHUNK)
    agg = _sc_aggregate(x, rows_p, cols_p)
    return _tc_mlp(x, agg, W1, b1, W2, b2)

# --- scband reference (transcript-rebuilt; emitter-appended) ---
"""Pipeline reference for scband-ginlayer-28209345200546 (READ-ONLY COPY).

The authoritative reference and input builder live on the scoring server;
editing this copy changes nothing except your own understanding.
"""

import jax, jax.numpy as jnp
import numpy as np

N = 10000
E = 320000
D = 128
H = 128

def setup_inputs(seed: int = 0) -> dict:
    key = jax.random.key(seed)
    k1, k2, k3, k4, k5, k6 = jax.random.split(key, 6)
    x = jax.random.normal(k1, (N, D), dtype=jnp.float32)
    edge_index = jax.random.randint(k2, (E, 2), 0, N, dtype=jnp.int32)
    # MLP params: Linear(D->H), ReLU, Linear(H->H)
    lim1 = 1.0 / np.sqrt(D)
    lim2 = 1.0 / np.sqrt(H)
    W1 = jax.random.uniform(k3, (D, H), dtype=jnp.float32, minval=-lim1, maxval=lim1)
    b1 = jax.random.uniform(k4, (H,), dtype=jnp.float32, minval=-lim1, maxval=lim1)
    W2 = jax.random.uniform(k5, (H, H), dtype=jnp.float32, minval=-lim2, maxval=lim2)
    b2 = jax.random.uniform(k6, (H,), dtype=jnp.float32, minval=-lim2, maxval=lim2)
    return {"x": x, "edge_index": edge_index, "W1": W1, "b1": b1, "W2": W2, "b2": b2}

def reference(x, edge_index, W1, b1, W2, b2):
    num_nodes = x.shape[0]
    ar = jnp.arange(num_nodes, dtype=edge_index.dtype)
    self_loop_index = jnp.stack([ar, ar], axis=1)
    ei = jnp.concatenate([edge_index, self_loop_index], axis=0)
    row = ei[:, 0]
    col = ei[:, 1]
    # scatter-add aggregation of neighbor features (intended GIN semantics)
    agg = jnp.zeros((num_nodes, x.shape[1]), dtype=x.dtype).at[row].add(x[col])
    h = jnp.maximum(agg @ W1 + b1, 0.0)
    out = h @ W2 + b2
    return out

if __name__ == "__main__":
    import jax
    _d = setup_inputs()
    print(jax.jit(kernel)(*tuple(_d.values())))

</pallas_src>

<mosaic_0001>
#map = affine_map<(d0, d1) -> (0, 0)>
#map1 = affine_map<(d0, d1) -> (0, 0, 0, 0)>
#map2 = affine_map<(d0, d1) -> (0, 0, 0)>
module attributes {stable_mosaic.version = 14 : i64} {
  func.func @agg_kernel(%arg0: i32, %arg1: i32, %arg2: memref<10000x128xf32, #tpu.memory_space<hbm>>, %arg3: memref<2x16x79x128xi32, #tpu.memory_space<hbm>>, %arg4: memref<2x16x79x128xi32, #tpu.memory_space<hbm>>, %arg5: memref<2x10000x128xf32, #tpu.memory_space<hbm>>, %arg6: memref<79x128xi32, #tpu.memory_space<vmem>>, %arg7: memref<79x128xi32, #tpu.memory_space<vmem>>, %arg8: memref<128x128xf32, #tpu.memory_space<vmem>>, %arg9: memref<10008x128xf32, #tpu.memory_space<vmem_shared>>, %arg10: memref<!tpu.dma_semaphore, #tpu.memory_space<semaphore_mem>>) attributes {dimension_semantics = [#tpu.dimension_semantics<core_parallel>, #tpu.dimension_semantics<subcore_parallel>], iteration_bounds = array<i64: 2, 16>, scalar_prefetch = 0 : i64, scratch_operands = 5 : i64, tpu.core_type = #tpu.core_type<sc_vector_subcore>, window_params = [{transform_indices = #map}, {transform_indices = #map1}, {transform_indices = #map1}, {transform_indices = #map2}]} {
    "tpu.region"() ({
      %run_scoped3A = tpu.sem_alloc : memref<!tpu.dma_semaphore, #tpu.memory_space<semaphore_mem>>
      %dma_start3A = arith.constant 0 : i32
      %dma_start3A_22 = arith.constant 0 : i32
      %dma_start3A_23 = tpu.memref_slice %arg3[%arg0, %arg1, %dma_start3A, %dma_start3A_22] : memref<2x16x79x128xi32, #tpu.memory_space<hbm>> -> memref<1x1x79x128xi32, #tpu.memory_space<hbm>>
      %dma_start3A_24 = tpu.memref_squeeze %dma_start3A_23 : memref<1x1x79x128xi32, #tpu.memory_space<hbm>> -> memref<79x128xi32, #tpu.memory_space<hbm>>
      %dma_start3A_25 = arith.constant 0 : i32
      %dma_start3A_26 = arith.constant 0 : i32
      %dma_start3A_27 = tpu.memref_slice %arg3[%arg0, %arg1, %dma_start3A_25, %dma_start3A_26] : memref<2x16x79x128xi32, #tpu.memory_space<hbm>> -> memref<1x1x79x128xi32, #tpu.memory_space<hbm>>
      %dma_start3A_28 = tpu.memref_squeeze %dma_start3A_27 : memref<1x1x79x128xi32, #tpu.memory_space<hbm>> -> memref<79x128xi32, #tpu.memory_space<hbm>>
      tpu.enqueue_dma source(%dma_start3A_28 : memref<79x128xi32, #tpu.memory_space<hbm>>) target(%arg6 : memref<79x128xi32, #tpu.memory_space<vmem>>) target_semaphore(%run_scoped3A : memref<!tpu.dma_semaphore, #tpu.memory_space<semaphore_mem>>)
      %dma_wait3A = arith.constant 0 : i32
      %dma_wait3A_29 = arith.constant 0 : i32
      %dma_wait3A_30 = tpu.memref_slice %arg3[%arg0, %arg1, %dma_wait3A, %dma_wait3A_29] : memref<2x16x79x128xi32, #tpu.memory_space<hbm>> -> memref<1x1x79x128xi32, #tpu.memory_space<hbm>>
      %dma_wait3A_31 = tpu.memref_squeeze %dma_wait3A_30 : memref<1x1x79x128xi32, #tpu.memory_space<hbm>> -> memref<79x128xi32, #tpu.memory_space<hbm>>
      %dma_wait3A_32 = arith.constant 0 : i32
      %dma_wait3A_33 = arith.constant 0 : i32
      %dma_wait3A_34 = tpu.memref_slice %arg3[%arg0, %arg1, %dma_wait3A_32, %dma_wait3A_33] : memref<2x16x79x128xi32, #tpu.memory_space<hbm>> -> memref<1x1x79x128xi32, #tpu.memory_space<hbm>>
      %dma_wait3A_35 = tpu.memref_squeeze %dma_wait3A_34 : memref<1x1x79x128xi32, #tpu.memory_space<hbm>> -> memref<79x128xi32, #tpu.memory_space<hbm>>
      tpu.wait_dma2 semaphore(%run_scoped3A : memref<!tpu.dma_semaphore, #tpu.memory_space<semaphore_mem>>) src(%dma_wait3A_35 : memref<79x128xi32, #tpu.memory_space<hbm>>) dst(%arg6 : memref<79x128xi32, #tpu.memory_space<vmem>>)
      tpu.yield
    }) : () -> ()
    "tpu.region"() ({
      %run_scoped3A = tpu.sem_alloc : memref<!tpu.dma_semaphore, #tpu.memory_space<semaphore_mem>>
      %dma_start3A = arith.constant 0 : i32
      %dma_start3A_22 = arith.constant 0 : i32
      %dma_start3A_23 = tpu.memref_slice %arg4[%arg0, %arg1, %dma_start3A, %dma_start3A_22] : memref<2x16x79x128xi32, #tpu.memory_space<hbm>> -> memref<1x1x79x128xi32, #tpu.memory_space<hbm>>
      %dma_start3A_24 = tpu.memref_squeeze %dma_start3A_23 : memref<1x1x79x128xi32, #tpu.memory_space<hbm>> -> memref<79x128xi32, #tpu.memory_space<hbm>>
      %dma_start3A_25 = arith.constant 0 : i32
      %dma_start3A_26 = arith.constant 0 : i32
      %dma_start3A_27 = tpu.memref_slice %arg4[%arg0, %arg1, %dma_start3A_25, %dma_start3A_26] : memref<2x16x79x128xi32, #tpu.memory_space<hbm>> -> memref<1x1x79x128xi32, #tpu.memory_space<hbm>>
      %dma_start3A_28 = tpu.memref_squeeze %dma_start3A_27 : memref<1x1x79x128xi32, #tpu.memory_space<hbm>> -> memref<79x128xi32, #tpu.memory_space<hbm>>
      tpu.enqueue_dma source(%dma_start3A_28 : memref<79x128xi32, #tpu.memory_space<hbm>>) target(%arg7 : memref<79x128xi32, #tpu.memory_space<vmem>>) target_semaphore(%run_scoped3A : memref<!tpu.dma_semaphore, #tpu.memory_space<semaphore_mem>>)
      %dma_wait3A = arith.constant 0 : i32
      %dma_wait3A_29 = arith.constant 0 : i32
      %dma_wait3A_30 = tpu.memref_slice %arg4[%arg0, %arg1, %dma_wait3A, %dma_wait3A_29] : memref<2x16x79x128xi32, #tpu.memory_space<hbm>> -> memref<1x1x79x128xi32, #tpu.memory_space<hbm>>
      %dma_wait3A_31 = tpu.memref_squeeze %dma_wait3A_30 : memref<1x1x79x128xi32, #tpu.memory_space<hbm>> -> memref<79x128xi32, #tpu.memory_space<hbm>>
      %dma_wait3A_32 = arith.constant 0 : i32
      %dma_wait3A_33 = arith.constant 0 : i32
      %dma_wait3A_34 = tpu.memref_slice %arg4[%arg0, %arg1, %dma_wait3A_32, %dma_wait3A_33] : memref<2x16x79x128xi32, #tpu.memory_space<hbm>> -> memref<1x1x79x128xi32, #tpu.memory_space<hbm>>
      %dma_wait3A_35 = tpu.memref_squeeze %dma_wait3A_34 : memref<1x1x79x128xi32, #tpu.memory_space<hbm>> -> memref<79x128xi32, #tpu.memory_space<hbm>>
      tpu.wait_dma2 semaphore(%run_scoped3A : memref<!tpu.dma_semaphore, #tpu.memory_space<semaphore_mem>>) src(%dma_wait3A_35 : memref<79x128xi32, #tpu.memory_space<hbm>>) dst(%arg7 : memref<79x128xi32, #tpu.memory_space<vmem>>)
      tpu.yield
    }) : () -> ()
    %mul3A = arith.constant 632 : i32
    %mul3A_0 = arith.muli %arg1, %mul3A : i32
    %multiple_of3A = tpu.assume_multiple %mul3A_0, 8 : i32
    %lt3A = arith.constant 15 : i32
    %lt3A_1 = arith.cmpi slt, %arg1, %lt3A : i32
    %convert_element_type3A = arith.extui %lt3A_1 : i1 to i32
    %cond3A = arith.constant 0 : i32
    %cond3A_2 = arith.cmpi ne, %convert_element_type3A, %cond3A : i32
    scf.if %cond3A_2 {
      "tpu.region"() ({
        %run_scoped3A = tpu.sem_alloc : memref<!tpu.dma_semaphore, #tpu.memory_space<semaphore_mem>>
        %dma_start3A = arith.constant 0 : i32
        %dma_start3A_22 = tpu.memref_slice %arg9[%multiple_of3A, %dma_start3A] : memref<10008x128xf32, #tpu.memory_space<vmem_shared>> -> memref<632x128xf32, #tpu.memory_space<vmem_shared>>
        %dma_start3A_23 = arith.constant 0 : i32
        %dma_start3A_24 = tpu.memref_slice %arg2[%multiple_of3A, %dma_start3A_23] : memref<10000x128xf32, #tpu.memory_space<hbm>> -> memref<632x128xf32, #tpu.memory_space<hbm>>
        tpu.enqueue_dma source(%dma_start3A_24 : memref<632x128xf32, #tpu.memory_space<hbm>>) target(%dma_start3A_22 : memref<632x128xf32, #tpu.memory_space<vmem_shared>>) target_semaphore(%run_scoped3A : memref<!tpu.dma_semaphore, #tpu.memory_space<semaphore_mem>>)
        %dma_wait3A = arith.constant 0 : i32
        %dma_wait3A_25 = tpu.memref_slice %arg9[%multiple_of3A, %dma_wait3A] : memref<10008x128xf32, #tpu.memory_space<vmem_shared>> -> memref<632x128xf32, #tpu.memory_space<vmem_shared>>
        %dma_wait3A_26 = arith.constant 0 : i32
        %dma_wait3A_27 = tpu.memref_slice %arg2[%multiple_of3A, %dma_wait3A_26] : memref<10000x128xf32, #tpu.memory_space<hbm>> -> memref<632x128xf32, #tpu.memory_space<hbm>>
        tpu.wait_dma2 semaphore(%run_scoped3A : memref<!tpu.dma_semaphore, #tpu.memory_space<semaphore_mem>>) src(%dma_wait3A_27 : memref<632x128xf32, #tpu.memory_space<hbm>>) dst(%dma_wait3A_25 : memref<632x128xf32, #tpu.memory_space<vmem_shared>>)
        tpu.yield
      }) : () -> ()
    } else {
    }
    %eq3A = arith.constant 15 : i32
    %eq3A_3 = arith.cmpi eq, %arg1, %eq3A : i32
    %convert_element_type3A_4 = arith.extui %eq3A_3 : i1 to i32
    %cond3A_5 = arith.constant 0 : i32
    %cond3A_6 = arith.cmpi ne, %convert_element_type3A_4, %cond3A_5 : i32
    scf.if %cond3A_6 {
      "tpu.region"() ({
        %run_scoped3A = tpu.sem_alloc : memref<!tpu.dma_semaphore, #tpu.memory_space<semaphore_mem>>
        %dma_start3A = arith.constant 9480 : i32
        %dma_start3A_22 = arith.constant 0 : i32
        %dma_start3A_23 = tpu.memref_slice %arg9[%dma_start3A, %dma_start3A_22] : memref<10008x128xf32, #tpu.memory_space<vmem_shared>> -> memref<520x128xf32, #tpu.memory_space<vmem_shared>>
        %dma_start3A_24 = arith.constant 9480 : i32
        %dma_start3A_25 = arith.constant 0 : i32
        %dma_start3A_26 = tpu.memref_slice %arg2[%dma_start3A_24, %dma_start3A_25] : memref<10000x128xf32, #tpu.memory_space<hbm>> -> memref<520x128xf32, #tpu.memory_space<hbm>>
        tpu.enqueue_dma source(%dma_start3A_26 : memref<520x128xf32, #tpu.memory_space<hbm>>) target(%dma_start3A_23 : memref<520x128xf32, #tpu.memory_space<vmem_shared>>) target_semaphore(%run_scoped3A : memref<!tpu.dma_semaphore, #tpu.memory_space<semaphore_mem>>)
        %dma_wait3A = arith.constant 9480 : i32
        %dma_wait3A_27 = arith.constant 0 : i32
        %dma_wait3A_28 = tpu.memref_slice %arg9[%dma_wait3A, %dma_wait3A_27] : memref<10008x128xf32, #tpu.memory_space<vmem_shared>> -> memref<520x128xf32, #tpu.memory_space<vmem_shared>>
        %dma_wait3A_29 = arith.constant 9480 : i32
        %dma_wait3A_30 = arith.constant 0 : i32
        %dma_wait3A_31 = tpu.memref_slice %arg2[%dma_wait3A_29, %dma_wait3A_30] : memref<10000x128xf32, #tpu.memory_space<hbm>> -> memref<520x128xf32, #tpu.memory_space<hbm>>
        tpu.wait_dma2 semaphore(%run_scoped3A : memref<!tpu.dma_semaphore, #tpu.memory_space<semaphore_mem>>) src(%dma_wait3A_31 : memref<520x128xf32, #tpu.memory_space<hbm>>) dst(%dma_wait3A_28 : memref<520x128xf32, #tpu.memory_space<vmem_shared>>)
        tpu.yield
      }) : () -> ()
    } else {
    }
    %barrier3A = arith.constant 0 : index
    tpu.barrier barrier_id(%barrier3A)
    %scan3A = arith.constant 0 : i32
    %scan3A_7 = arith.constant 79 : i32
    %scan3A_8 = arith.addi %scan3A, %scan3A_7 : i32
    %scan3A_9 = arith.constant 1 : i32
    scf.for %scan3A_22 = %scan3A to %scan3A_8 step %scan3A_9  : i32 {
      %mul3A_23 = arith.constant 1 : i32
      %mul3A_24 = arith.muli %scan3A_22, %mul3A_23 : i32
      %add3A = arith.constant 0 : i32
      %add3A_25 = arith.addi %add3A, %mul3A_24 : i32
      %dma_start3A = arith.constant 0 : i32
      %dma_start3A_26 = tpu.memref_slice %arg7[%add3A_25, %dma_start3A] : memref<79x128xi32, #tpu.memory_space<vmem>> -> memref<1x128xi32, #tpu.memory_space<vmem>>
      %dma_start3A_27 = tpu.memref_squeeze %dma_start3A_26 : memref<1x128xi32, #tpu.memory_space<vmem>> -> memref<128xi32, #tpu.memory_space<vmem>>
      %dma_start3A_28 = arith.constant 0 : i32
      %dma_start3A_29 = arith.constant 0 : i32
      %dma_start3A_30 = tpu.memref_slice %arg2[%dma_start3A_28, %dma_start3A_29] : memref<10000x128xf32, #tpu.memory_space<hbm>> -> memref<10000x128xf32, #tpu.memory_space<hbm>>
      tpu.enqueue_indirect_dma source(%dma_start3A_30 : memref<10000x128xf32, #tpu.memory_space<hbm>>) target(%arg8 : memref<128x128xf32, #tpu.memory_space<vmem>>) offsets(%dma_start3A_27 : memref<128xi32, #tpu.memory_space<vmem>>) semaphore(%arg10 : memref<!tpu.dma_semaphore, #tpu.memory_space<semaphore_mem>>)
      %dma_wait3A = arith.constant 0 : i32
      %dma_wait3A_31 = tpu.memref_slice %arg7[%add3A_25, %dma_wait3A] : memref<79x128xi32, #tpu.memory_space<vmem>> -> memref<1x128xi32, #tpu.memory_space<vmem>>
      %dma_wait3A_32 = tpu.memref_squeeze %dma_wait3A_31 : memref<1x128xi32, #tpu.memory_space<vmem>> -> memref<128xi32, #tpu.memory_space<vmem>>
      %dma_wait3A_33 = arith.constant 0 : i32
      %dma_wait3A_34 = arith.constant 0 : i32
      %dma_wait3A_35 = tpu.memref_slice %arg2[%dma_wait3A_33, %dma_wait3A_34] : memref<10000x128xf32, #tpu.memory_space<hbm>> -> memref<10000x128xf32, #tpu.memory_space<hbm>>
      tpu.wait_indirect_dma semaphore(%arg10 : memref<!tpu.dma_semaphore, #tpu.memory_space<semaphore_mem>>) src(%dma_wait3A_35 : memref<10000x128xf32, #tpu.memory_space<hbm>>) dst(%arg8 : memref<128x128xf32, #tpu.memory_space<vmem>>)
      "tpu.region"() ({
        %run_scoped3A = tpu.sem_alloc : memref<!tpu.dma_semaphore, #tpu.memory_space<semaphore_mem>>
        %dma_start3A_36 = arith.constant 0 : i32
        %dma_start3A_37 = tpu.memref_slice %arg6[%add3A_25, %dma_start3A_36] : memref<79x128xi32, #tpu.memory_space<vmem>> -> memref<1x128xi32, #tpu.memory_space<vmem>>
        %dma_start3A_38 = tpu.memref_squeeze %dma_start3A_37 : memref<1x128xi32, #tpu.memory_space<vmem>> -> memref<128xi32, #tpu.memory_space<vmem>>
        %dma_start3A_39 = arith.constant 0 : i32
        %dma_start3A_40 = arith.constant 0 : i32
        %dma_start3A_41 = tpu.memref_slice %arg9[%dma_start3A_39, %dma_start3A_40] : memref<10008x128xf32, #tpu.memory_space<vmem_shared>> -> memref<10008x128xf32, #tpu.memory_space<vmem_shared>>
        tpu.enqueue_indirect_dma source(%arg8 : memref<128x128xf32, #tpu.memory_space<vmem>>) target(%dma_start3A_41 : memref<10008x128xf32, #tpu.memory_space<vmem_shared>>) offsets(%dma_start3A_38 : memref<128xi32, #tpu.memory_space<vmem>>) semaphore(%run_scoped3A : memref<!tpu.dma_semaphore, #tpu.memory_space<semaphore_mem>>) {add = true}
        %dma_wait3A_42 = arith.constant 0 : i32
        %dma_wait3A_43 = tpu.memref_slice %arg6[%add3A_25, %dma_wait3A_42] : memref<79x128xi32, #tpu.memory_space<vmem>> -> memref<1x128xi32, #tpu.memory_space<vmem>>
        %dma_wait3A_44 = tpu.memref_squeeze %dma_wait3A_43 : memref<1x128xi32, #tpu.memory_space<vmem>> -> memref<128xi32, #tpu.memory_space<vmem>>
        %dma_wait3A_45 = arith.constant 0 : i32
        %dma_wait3A_46 = arith.constant 0 : i32
        %dma_wait3A_47 = tpu.memref_slice %arg9[%dma_wait3A_45, %dma_wait3A_46] : memref<10008x128xf32, #tpu.memory_space<vmem_shared>> -> memref<10008x128xf32, #tpu.memory_space<vmem_shared>>
        tpu.wait_indirect_dma semaphore(%run_scoped3A : memref<!tpu.dma_semaphore, #tpu.memory_space<semaphore_mem>>) src(%arg8 : memref<128x128xf32, #tpu.memory_space<vmem>>) dst(%dma_wait3A_47 : memref<10008x128xf32, #tpu.memory_space<vmem_shared>>)
        tpu.yield
      }) : () -> ()
    }
    %scan3A_10 = arith.constant 79 : i32
    %barrier3A_11 = arith.constant 0 : index
    tpu.barrier barrier_id(%barrier3A_11)
    %lt3A_12 = arith.constant 15 : i32
    %lt3A_13 = arith.cmpi slt, %arg1, %lt3A_12 : i32
    %convert_element_type3A_14 = arith.extui %lt3A_13 : i1 to i32
    %cond3A_15 = arith.constant 0 : i32
    %cond3A_16 = arith.cmpi ne, %convert_element_type3A_14, %cond3A_15 : i32
    scf.if %cond3A_16 {
      "tpu.region"() ({
        %run_scoped3A = tpu.sem_alloc : memref<!tpu.dma_semaphore, #tpu.memory_space<semaphore_mem>>
        %dma_start3A = arith.constant 0 : i32
        %dma_start3A_22 = tpu.memref_slice %arg5[%arg0, %multiple_of3A, %dma_start3A] : memref<2x10000x128xf32, #tpu.memory_space<hbm>> -> memref<1x632x128xf32, #tpu.memory_space<hbm>>
        %dma_start3A_23 = tpu.memref_squeeze %dma_start3A_22 : memref<1x632x128xf32, #tpu.memory_space<hbm>> -> memref<632x128xf32, #tpu.memory_space<hbm>>
        %dma_start3A_24 = arith.constant 0 : i32
        %dma_start3A_25 = tpu.memref_slice %arg9[%multiple_of3A, %dma_start3A_24] : memref<10008x128xf32, #tpu.memory_space<vmem_shared>> -> memref<632x128xf32, #tpu.memory_space<vmem_shared>>
        tpu.enqueue_dma source(%dma_start3A_25 : memref<632x128xf32, #tpu.memory_space<vmem_shared>>) target(%dma_start3A_23 : memref<632x128xf32, #tpu.memory_space<hbm>>) target_semaphore(%run_scoped3A : memref<!tpu.dma_semaphore, #tpu.memory_space<semaphore_mem>>)
        %dma_wait3A = arith.constant 0 : i32
        %dma_wait3A_26 = tpu.memref_slice %arg5[%arg0, %multiple_of3A, %dma_wait3A] : memref<2x10000x128xf32, #tpu.memory_space<hbm>> -> memref<1x632x128xf32, #tpu.memory_space<hbm>>
        %dma_wait3A_27 = tpu.memref_squeeze %dma_wait3A_26 : memref<1x632x128xf32, #tpu.memory_space<hbm>> -> memref<632x128xf32, #tpu.memory_space<hbm>>
        %dma_wait3A_28 = arith.constant 0 : i32
        %dma_wait3A_29 = tpu.memref_slice %arg9[%multiple_of3A, %dma_wait3A_28] : memref<10008x128xf32, #tpu.memory_space<vmem_shared>> -> memref<632x128xf32, #tpu.memory_space<vmem_shared>>
        tpu.wait_dma2 semaphore(%run_scoped3A : memref<!tpu.dma_semaphore, #tpu.memory_space<semaphore_mem>>) src(%dma_wait3A_29 : memref<632x128xf32, #tpu.memory_space<vmem_shared>>) dst(%dma_wait3A_27 : memref<632x128xf32, #tpu.memory_space<hbm>>)
        tpu.yield
      }) : () -> ()
    } else {
    }
    %eq3A_17 = arith.constant 15 : i32
    %eq3A_18 = arith.cmpi eq, %arg1, %eq3A_17 : i32
    %convert_element_type3A_19 = arith.extui %eq3A_18 : i1 to i32
    %cond3A_20 = arith.constant 0 : i32
    %cond3A_21 = arith.cmpi ne, %convert_element_type3A_19, %cond3A_20 : i32
    scf.if %cond3A_21 {
      "tpu.region"() ({
        %run_scoped3A = tpu.sem_alloc : memref<!tpu.dma_semaphore, #tpu.memory_space<semaphore_mem>>
        %dma_start3A = arith.constant 9480 : i32
        %dma_start3A_22 = arith.constant 0 : i32
        %dma_start3A_23 = tpu.memref_slice %arg5[%arg0, %dma_start3A, %dma_start3A_22] : memref<2x10000x128xf32, #tpu.memory_space<hbm>> -> memref<1x520x128xf32, #tpu.memory_space<hbm>>
        %dma_start3A_24 = tpu.memref_squeeze %dma_start3A_23 : memref<1x520x128xf32, #tpu.memory_space<hbm>> -> memref<520x128xf32, #tpu.memory_space<hbm>>
        %dma_start3A_25 = arith.constant 9480 : i32
        %dma_start3A_26 = arith.constant 0 : i32
        %dma_start3A_27 = tpu.memref_slice %arg9[%dma_start3A_25, %dma_start3A_26] : memref<10008x128xf32, #tpu.memory_space<vmem_shared>> -> memref<520x128xf32, #tpu.memory_space<vmem_shared>>
        tpu.enqueue_dma source(%dma_start3A_27 : memref<520x128xf32, #tpu.memory_space<vmem_shared>>) target(%dma_start3A_24 : memref<520x128xf32, #tpu.memory_space<hbm>>) target_semaphore(%run_scoped3A : memref<!tpu.dma_semaphore, #tpu.memory_space<semaphore_mem>>)
        %dma_wait3A = arith.constant 9480 : i32
        %dma_wait3A_28 = arith.constant 0 : i32
        %dma_wait3A_29 = tpu.memref_slice %arg5[%arg0, %dma_wait3A, %dma_wait3A_28] : memref<2x10000x128xf32, #tpu.memory_space<hbm>> -> memref<1x520x128xf32, #tpu.memory_space<hbm>>
        %dma_wait3A_30 = tpu.memref_squeeze %dma_wait3A_29 : memref<1x520x128xf32, #tpu.memory_space<hbm>> -> memref<520x128xf32, #tpu.memory_space<hbm>>
        %dma_wait3A_31 = arith.constant 9480 : i32
        %dma_wait3A_32 = arith.constant 0 : i32
        %dma_wait3A_33 = tpu.memref_slice %arg9[%dma_wait3A_31, %dma_wait3A_32] : memref<10008x128xf32, #tpu.memory_space<vmem_shared>> -> memref<520x128xf32, #tpu.memory_space<vmem_shared>>
        tpu.wait_dma2 semaphore(%run_scoped3A : memref<!tpu.dma_semaphore, #tpu.memory_space<semaphore_mem>>) src(%dma_wait3A_33 : memref<520x128xf32, #tpu.memory_space<vmem_shared>>) dst(%dma_wait3A_30 : memref<520x128xf32, #tpu.memory_space<hbm>>)
        tpu.yield
      }) : () -> ()
    } else {
    }
    return
  }
}

module attributes {stable_mosaic.version = 14 : i64} {
  func.func @_mlp_block(%arg0: i32, %arg1: memref<1000x128xf32, #tpu.memory_space<vmem>>, %arg2: memref<1x1000x128xf32, #tpu.memory_space<vmem>>, %arg3: memref<1x1000x128xf32, #tpu.memory_space<vmem>>, %arg4: memref<128x128xf32, #tpu.memory_space<vmem>>, %arg5: memref<1x128xf32, #tpu.memory_space<vmem>>, %arg6: memref<128x128xf32, #tpu.memory_space<vmem>>, %arg7: memref<1x128xf32, #tpu.memory_space<vmem>>, %arg8: memref<1000x128xf32, #tpu.memory_space<vmem>>) attributes {dimension_semantics = [#tpu.dimension_semantics<arbitrary>], iteration_bounds = array<i64: 10>, scalar_prefetch = 0 : i64, scratch_operands = 0 : i64, tpu.core_type = #tpu.core_type<tc>, window_params = [{transform_indices = @transform_0, window_bounds = array<i64: 1000, 128>}, {transform_indices = @transform_1, window_bounds = array<i64: 1, 1000, 128>}, {transform_indices = @transform_2, window_bounds = array<i64: 1, 1000, 128>}, {pipeline_mode = #tpu.pipeline_mode<synchronous>, transform_indices = @transform_3, window_bounds = array<i64: 128, 128>}, {pipeline_mode = #tpu.pipeline_mode<synchronous>, transform_indices = @transform_4, window_bounds = array<i64: 1, 128>}, {pipeline_mode = #tpu.pipeline_mode<synchronous>, transform_indices = @transform_5, window_bounds = array<i64: 128, 128>}, {pipeline_mode = #tpu.pipeline_mode<synchronous>, transform_indices = @transform_6, window_bounds = array<i64: 1, 128>}, {transform_indices = @transform_7, window_bounds = array<i64: 1000, 128>}]} {
    %get3A = arith.constant 0 : index
    %get3A_0 = arith.constant 0 : index
    %get3A_1 = arith.constant 0 : index
    %get3A_2 = vector.load %arg2[%get3A, %get3A_0, %get3A_1] : memref<1x1000x128xf32, #tpu.memory_space<vmem>>, vector<1x1000x128xf32>
    %get3A_3 = vector.shape_cast %get3A_2 : vector<1x1000x128xf32> to vector<1000x128xf32>
    %get3A_4 = arith.constant 0 : index
    %get3A_5 = arith.constant 0 : index
    %get3A_6 = arith.constant 0 : index
    %get3A_7 = vector.load %arg3[%get3A_4, %get3A_5, %get3A_6] : memref<1x1000x128xf32, #tpu.memory_space<vmem>>, vector<1x1000x128xf32>
    %get3A_8 = vector.shape_cast %get3A_7 : vector<1x1000x128xf32> to vector<1000x128xf32>
    %add3A = arith.addf %get3A_3, %get3A_8 : vector<1000x128xf32>
    %get3A_9 = arith.constant 0 : index
    %get3A_10 = arith.constant 0 : index
    %get3A_11 = vector.load %arg1[%get3A_9, %get3A_10] : memref<1000x128xf32, #tpu.memory_space<vmem>>, vector<1000x128xf32>
    %sub3A = arith.subf %add3A, %get3A_11 : vector<1000x128xf32>
    %get3A_12 = arith.constant 0 : index
    %get3A_13 = arith.constant 0 : index
    %get3A_14 = vector.load %arg4[%get3A_12, %get3A_13] : memref<128x128xf32, #tpu.memory_space<vmem>>, vector<128x128xf32>
    %dot_general3A = arith.constant dense<0.000000e+00> : vector<1000x128xf32>
    %dot_general3A_15 = tpu.matmul %sub3A, %get3A_14, %dot_general3A {dimension_numbers = #tpu.dot_dimension_numbers<[1], [0], [0], [1], [0, 0, 1, 1], [], []>, precision = #tpu.contract_precision<fp32>, transpose_lhs_hint = false} : vector<1000x128xf32>, vector<128x128xf32>, vector<1000x128xf32> -> vector<1000x128xf32>
    %get3A_16 = arith.constant 0 : index
    %get3A_17 = arith.constant 0 : index
    %get3A_18 = vector.load %arg5[%get3A_16, %get3A_17] : memref<1x128xf32, #tpu.memory_space<vmem>>, vector<1x128xf32>
    %add3A_19 = vector.broadcast %get3A_18 : vector<1x128xf32> to vector<1000x128xf32>
    %add3A_20 = arith.addf %dot_general3A_15, %add3A_19 : vector<1000x128xf32>
    %max3A = arith.constant 0.000000e+00 : f32
    %max3A_21 = vector.broadcast %max3A : f32 to vector<1000x128xf32>
    %max3A_22 = arith.maximumf %add3A_20, %max3A_21 : vector<1000x128xf32>
    %get3A_23 = arith.constant 0 : index
    %get3A_24 = arith.constant 0 : index
    %get3A_25 = vector.load %arg6[%get3A_23, %get3A_24] : memref<128x128xf32, #tpu.memory_space<vmem>>, vector<128x128xf32>
    %dot_general3A_26 = arith.constant dense<0.000000e+00> : vector<1000x128xf32>
    %dot_general3A_27 = tpu.matmul %max3A_22, %get3A_25, %dot_general3A_26 {dimension_numbers = #tpu.dot_dimension_numbers<[1], [0], [0], [1], [0, 0, 1, 1], [], []>, precision = #tpu.contract_precision<fp32>, transpose_lhs_hint = false} : vector<1000x128xf32>, vector<128x128xf32>, vector<1000x128xf32> -> vector<1000x128xf32>
    %get3A_28 = arith.constant 0 : index
    %get3A_29 = arith.constant 0 : index
    %get3A_30 = vector.load %arg7[%get3A_28, %get3A_29] : memref<1x128xf32, #tpu.memory_space<vmem>>, vector<1x128xf32>
    %add3A_31 = vector.broadcast %get3A_30 : vector<1x128xf32> to vector<1000x128xf32>
    %add3A_32 = arith.addf %dot_general3A_27, %add3A_31 : vector<1000x128xf32>
    %swap3A = arith.constant 0 : index
    %swap3A_33 = arith.constant 0 : index
    %swap3A_34 = vector.load %arg8[%swap3A, %swap3A_33] : memref<1000x128xf32, #tpu.memory_space<vmem>>, vector<1000x128xf32>
    tpu.vector_store %arg8[%swap3A, %swap3A_33], %add3A_32 {strides = array<i32>} : memref<1000x128xf32, #tpu.memory_space<vmem>>, vector<1000x128xf32>,
    return
  }
  func.func @transform_0(%arg0: i32) -> (i32, i32) {
    %c0_i32 = arith.constant 0 : i32
    %c0_i32_0 = arith.constant 0 : i32
    return %arg0, %c0_i32 : i32, i32
  }
  func.func @transform_1(%arg0: i32) -> (i32, i32, i32) {
    %c0_i32 = arith.constant 0 : i32
    %c0_i32_0 = arith.constant 0 : i32
    %c0_i32_1 = arith.constant 0 : i32
    return %c0_i32, %arg0, %c0_i32_0 : i32, i32, i32
  }
  func.func @transform_2(%arg0: i32) -> (i32, i32, i32) {
    %c1_i32 = arith.constant 1 : i32
    %c0_i32 = arith.constant 0 : i32
    %c0_i32_0 = arith.constant 0 : i32
    return %c1_i32, %arg0, %c0_i32 : i32, i32, i32
  }
  func.func @transform_3(%arg0: i32) -> (i32, i32) {
    %c0_i32 = arith.constant 0 : i32
    %c0_i32_0 = arith.constant 0 : i32
    %c0_i32_1 = arith.constant 0 : i32
    return %c0_i32, %c0_i32_0 : i32, i32
  }
  func.func @transform_4(%arg0: i32) -> (i32, i32) {
    %c0_i32 = arith.constant 0 : i32
    %c0_i32_0 = arith.constant 0 : i32
    %c0_i32_1 = arith.constant 0 : i32
    return %c0_i32, %c0_i32_0 : i32, i32
  }
  func.func @transform_5(%arg0: i32) -> (i32, i32) {
    %c0_i32 = arith.constant 0 : i32
    %c0_i32_0 = arith.constant 0 : i32
    %c0_i32_1 = arith.constant 0 : i32
    return %c0_i32, %c0_i32_0 : i32, i32
  }
  func.func @transform_6(%arg0: i32) -> (i32, i32) {
    %c0_i32 = arith.constant 0 : i32
    %c0_i32_0 = arith.constant 0 : i32
    %c0_i32_1 = arith.constant 0 : i32
    return %c0_i32, %c0_i32_0 : i32, i32
  }
  func.func @transform_7(%arg0: i32) -> (i32, i32) {
    %c0_i32 = arith.constant 0 : i32
    %c0_i32_0 = arith.constant 0 : i32
    return %arg0, %c0_i32 : i32, i32
  }
}

</mosaic_0001>

<sc_bundles>
// kernel: kernel.4.cloned.1.call-start
scs
__scs_entry_jumppad:
0x0: {  	(pc) =	sbr.rel $0x88, $3  }
0x1: {  	(tag) =	ssettag $0x0;
	lr =	simm.s32 $0x1  }
0x2: {  	[smem:$0x3F9B] =	sst lr;
	_ =	strace $0xD0000000  }
0x3: {  	_ = 	snop  }
0x4: {  	_ = 	snop  }
0x5: {  	_ = 	snop  }
0x6: {  	_ = 	snop  }
0x7: {  	_ = 	snop  }
__scs_overlays_trampoline_lowered:
0x8: {  	[smem:$0x3FAA] =	sst s0  }
0x9: {  	[smem:$0x3FAB] =	sst s1  }
0xa: {  	[smem:$0x3FAC] =	sst s2  }
0xb: {  	[smem:$0x3FAD] =	sst s3  }
0xc: {  	[smem:$0x3FAE] =	sst s4  }
0xd: {  	[smem:$0x3FAF] =	sst s5  }
0xe: {  	[smem:$0x3FB0] =	sst s6  }
0xf: {  	[smem:$0x3FB1] =	sst s7  }
0x10: {  	[smem:$0x3FB2] =	sst s8  }
0x11: {  	[smem:$0x3FB3] =	sst s9;
	s0 =	simm.s32 @!p0 $0x0  }
0x12: {  	s1 =	sld [smem:$0x3F99];
	s0 =	simm.s32 @p0 $0x1  }
0x13: {  	[smem:$0x3FB4] =	sst s0;
	s0 =	simm.s32 @!p1 $0x0  }
0x14: {  	s2 =	sld [smem:$0x3F98];
	s0 =	simm.s32 @p1 $0x1  }
0x15: {  	[smem:$0x3FB5] =	sst s0;
	s0 =	simm.s32 @!p2 $0x0  }
0x16: {  	s3 =	sld [smem:$0x3FDB];
	s0 =	simm.s32 @p2 $0x1  }
0x17: {  	s4 =	simm.s32 $0x1BF5;
	[smem:$0x3FB7] =	sst s0  }
0x18: {  	s0 =	sld [smem:$0x3F9A];
	_ =	swait.ge [sflag:s4], $0x0  }
0x19: {  	s7 =	sld [smem:$0x3F9B]  }
0x1a: {  	s8 =	sadd.s32 $0xFFFFE003, lr  }
0x1b: {  	s9 =	sadd.s32 $0xFFFFFEF7, lr;
	s5 =	simm.s32 $0xFFFFFFFF;
	p2 =	slt.u32 s8, $0xFFFFF086  }
0x1c: {  	p1 =	slt.u32 s9, $0xF7A;
	s5 =	simm.s32 @!p2 $0x0  }
0x1d: {  	s5 =	simm.s32 @p1 $0x1;
	p0 =	seq.s32 s7, s2  }
0x1e: {  	s7 =	smul.u32 @!p0 $0xF7A, s2;
	p2 =	seq.s32 @!p0 s5, $0x0  }
0x1f: {  	s9 =	smul.u32 $0xF7A, s1;
	s8 =	simm.s32 @!p0 $0x1BF5;
	p2 =	por !p2, p0  }
0x20: {  	[sflag:s8] =	ssyncset.s32 @!p0 $0xFFFFF086;
	s6 =	sadd.s32 @!p0 s3, s7;
	s7 =	simm.s32 @!p0 $0x108  }
0x21: {  	s3 =	sadd.s32 s3, s9;
	s6 =	sadd.s32 @!p0 $0x88, s6;
	s7 =	simm.s32 @p2 $0x1082  }
0x22: {  	[simem:s7], [sflag:s8] =	dma.local @!p0 [hbm:s6], $0xF7A  }
0x23: {  	s9 =	sor.u32 $0xD0000000, s2;
	s6 =	simm.s32 $0x108;
	_ =	swait.ge @!p0 [sflag:s8], $0x0  }
0x24: {  	s3 =	sadd.s32 $0x88, s3;
	s6 =	simm.s32 @!p1 $0x1082;
	[sflag:s4] =	ssyncset.s32 $0xFFFFF086  }
0x25: {  	[simem:s6], [sflag:s4] =	dma.local [hbm:s3], $0xF7A  }
0x26: {  	[smem:$0x3F9B] =	sst s1;
	(tag) =	ssettag s2;
	_ =	strace s9  }
0x27: {  	s1 =	sld [smem:$0x3FAB]  }
0x28: {  	s2 =	sld [smem:$0x3FAC]  }
0x29: {  	s4 =	sld [smem:$0x3FAE]  }
0x2a: {  	p0 =	seq.s32 s5, $0x0;
	s5 =	sld [smem:$0x3FAF]  }
0x2b: {  	s6 =	sld [smem:$0x3FB0]  }
0x2c: {  	s7 =	sld [smem:$0x3FB1]  }
0x2d: {  	s3 =	simm.s32 $0x108;
	s8 =	sld [smem:$0x3FB2]  }
0x2e: {  	s3 =	simm.s32 @!p0 $0x1082;
	s9 =	sld [smem:$0x3FB3]  }
0x2f: {  	lr =	sadd.s32 s0, s3;
	s0 =	sld [smem:$0x3FAA]  }
0x30: {  	s3 =	sld [smem:$0x3FAD]  }
0x31: {  	[smem:$0x3FB6] =	sst s10  }
0x32: {  	s10 =	sld [smem:$0x3FB4];
	_ =	sdelay $0x3  }
0x33: {  	p0 =	seq.s32 s10, $0x1;
	s10 =	sld [smem:$0x3FB6];
	_ =	sdelay $0x3  }
0x34: {  	[smem:$0x3FB6] =	sst s10  }
0x35: {  	s10 =	sld [smem:$0x3FB5];
	_ =	sdelay $0x3  }
0x36: {  	p1 =	seq.s32 s10, $0x1;
	s10 =	sld [smem:$0x3FB6];
	_ =	sdelay $0x3  }
0x37: {  	[smem:$0x3FB6] =	sst s10  }
0x38: {  	s10 =	sld [smem:$0x3FB7]  }
0x39: {  	_ = 	snop;
	(pc) =	sbr.ind lr, $3  }
0x3a: {  	_ = 	snop  }
0x3b: {  	_ = 	snop  }
0x3c: {  	p2 =	seq.s32 s10, $0x1;
	s10 =	sld [smem:$0x3FB6]  }
0x3d: {  	_ =	shalt  }
0x3e: {  	_ =	shalt  }
0x3f: {  	_ =	shalt  }
0x40: {  	_ =	shalt  }
0x41: {  	_ =	shalt  }
0x42: {  	_ =	shalt  }
0x43: {  	_ =	shalt  }
0x44: {  	_ =	shalt  }
0x45: {  	_ =	shalt  }
0x46: {  	_ =	shalt  }
0x47: {  	_ =	shalt  }
0x48: {  	_ =	shalt  }
0x49: {  	_ =	shalt  }
0x4a: {  	_ =	shalt  }
0x4b: {  	_ =	shalt  }
0x4c: {  	_ =	shalt  }
0x4d: {  	_ =	shalt  }
0x4e: {  	_ =	shalt  }
0x4f: {  	_ =	shalt  }
0x50: {  	_ =	shalt  }
0x51: {  	_ =	shalt  }
0x52: {  	_ =	shalt  }
0x53: {  	_ =	shalt  }
0x54: {  	_ =	shalt  }
0x55: {  	_ =	shalt  }
0x56: {  	_ =	shalt  }
0x57: {  	_ =	shalt  }
0x58: {  	_ =	shalt  }
0x59: {  	_ =	shalt  }
0x5a: {  	_ =	shalt  }
0x5b: {  	_ =	shalt  }
0x5c: {  	_ =	shalt  }
0x5d: {  	_ =	shalt  }
0x5e: {  	_ =	shalt  }
0x5f: {  	_ =	shalt  }
0x60: {  	_ =	shalt  }
0x61: {  	_ =	shalt  }
0x62: {  	_ =	shalt  }
0x63: {  	_ =	shalt  }
0x64: {  	_ =	shalt  }
0x65: {  	_ =	shalt  }
0x66: {  	_ =	shalt  }
0x67: {  	_ =	shalt  }
0x68: {  	_ =	shalt  }
0x69: {  	_ =	shalt  }
0x6a: {  	_ =	shalt  }
0x6b: {  	_ =	shalt  }
0x6c: {  	_ =	shalt  }
0x6d: {  	_ =	shalt  }
0x6e: {  	_ =	shalt  }
0x6f: {  	_ =	shalt  }
0x70: {  	_ =	shalt  }
0x71: {  	_ =	shalt  }
0x72: {  	_ =	shalt  }
0x73: {  	_ =	shalt  }
0x74: {  	_ =	shalt  }
0x75: {  	_ =	shalt  }
0x76: {  	_ =	shalt  }
0x77: {  	_ =	shalt  }
0x78: {  	_ =	shalt  }
0x79: {  	_ =	shalt  }
0x7a: {  	_ =	shalt  }
0x7b: {  	_ =	shalt  }
0x7c: {  	_ =	shalt  }
0x7d: {  	_ =	shalt  }
0x7e: {  	_ =	shalt  }
0x7f: {  	_ =	shalt  }
0x80: {  	_ =	shalt  }
0x81: {  	_ =	shalt  }
0x82: {  	_ =	shalt  }
0x83: {  	_ =	shalt  }
0x84: {  	_ =	shalt  }
0x85: {  	_ =	shalt  }
0x86: {  	_ =	shalt  }
0x87: {  	_ =	shalt  }
.Lfunc_end0:
.L_simem_size_0:
called_computation_lowered:
.L_overlay_start_0:
0x88: {  	s2 =	sld [smem:$0x3FD9]  }
0x89: {  	s3 =	sld [smem:$0x3FFE];
	_ =	sdelay $0x1  }
0x8a: {  	s1 =	srdreg.scid  }
0x8b: {  	s0 =	sand.u32 $0x1, s1  }
0x8c: {  	s17 =	sshll.u32 s0, $0xA;
	s2 =	sadd.s32 s3, s2  }
0x8d: {  	s2 =	sadd.s32 s2, s17  }
0x8e: {  	[smem:$0x3FC2] =	sst s2  }
0x8f: {  	_ = 	snop  }
0x90: {  	s2 =	sld [smem:$0x3FC9]  }
0x91: {  	s18 =	sld [smem:$0x3FD0];
	(tm) =	ssettm $0x1  }
0x92: {  	s4 =	sld [smem:$0x3FFB];
	_ =	sdelay $0x3  }
0x93: {  	_ =	strace s4  }
0x94: {  	s4 =	sld [smem:$0x3FFC];
	_ =	sdelay $0x3  }
0x95: {  	_ =	strace s4  }
0x96: {  	s4 =	sld [smem:$0x3FFD];
	_ =	sdelay $0x3  }
0x97: {  	_ =	strace s4  }
0x98: {  	_ =	strace $0x8FFFFFFF  }
0x99: {  	s19 =	sld [smem:$0x3FDB];
	_ =	sdelay $0x1  }
0x9a: {  	s5 =	simm.s32 $_scs_section_size  }
0x9b: {  	s6 =	simm.s32 $_size__tile_overlayer_lowered;
	s7 =	simm.s32 $_tile_overlayer_lowered  }
0x9c: {  	s22 =	simm.s32 $0x1BFF;
	s21 =	sshll.u32 s7, $0x1;
	s4 =	sadd.s32 s5, s19  }
0x9d: {  	s8 =	simm.s32 $0x0;
	s20 =	sshll.u32 s6, $0x1;
	s6 =	sadd.s32 s21, s4  }
0x9e: {  	[timem:s8], [sflag:s22] =	dma.local [hbm:s6], s20  }
0x9f: {  	_ =	swait.ge [sflag:s22], s20  }
0xa0: {  	s5 =	ssub.s32 $0x0, s20;
	[sflag:s22] =	ssyncset.done $0x0  }
0xa1: {  	[sflag:s22] =	ssyncadd.s32 s5;
	_ =	sdelay $0x1  }
0xa2: {  	s23 =	simm.s32 $0x1B8B  }
0xa3: {  	_ =	swait.ge [sflag:s23], $0x1  }
0xa4: {  	[sflag:s23] =	ssyncset.done $0x0  }
0xa5: {  	s25 =	simm.s32 $0x1B8E;
	s24 =	sld [smem:$0x3FFE];
	[sflag:s23] =	ssyncadd.s32 $0xFFFFFFFF  }
0xa6: {  	s26 =	simm.s32 $execute0_lowered;
	[smem:$0x3FD2] =	sst s25  }
0xa7: {  	s6 =	sshll.u32 s26, $0x1;
	_ =	strace $0x80000046;
	[dreg:$0x1] =	wrdreg $0xFFFFFFFF  }
0xa8: {  	s28 =	simm.s32 $_size_execute0_lowered;
	s4 =	sadd.s32 s4, s6;
	[dreg:$0x0] =	wrdreg $0x0  }
0xa9: {  	s6 =	sshll.u32 s28, $0x1;
	[dreg:$0x2] =	wrdreg s4  }
0xaa: {  	[dreg:$0x3] =	wrdreg s6  }
0xab: {  	[dreg:$0x4] =	wrdreg $0xC0  }
0xac: {  	_ =	task [dreg:s8], $0x5FFFF  }
0xad: {  	[dreg:$0x1] =	wrdreg $0xFFFFFFFF  }
0xae: {  	[dreg:$0x0] =	wrdreg $0x60  }
0xaf: {  	[dreg:$0x2] =	wrdreg s2  }
0xb0: {  	[dreg:$0x3] =	wrdreg s18  }
0xb1: {  	[dreg:$0x4] =	wrdreg s24  }
0xb2: {  	[dreg:$0x5] =	wrdreg $0x90000  }
0xb3: {  	[dreg:$0x6] =	wrdreg $0x9  }
0xb4: {  	_ =	task.clear_ibuf [dreg:s8], $0x7FFFF;
	_ =	strace $0x90000046  }
0xb5: {  	s29 =	simm.s32 $0x9;
	_ =	strace $0x80000048  }
0xb6: {  	_ =	swait.ge [sflag:s29], $0x1  }
0xb7: {  	[sflag:s29] =	ssyncadd.s32 $0xFFFFFFFF  }
0xb8: {  	_ =	strace $0x90000048  }
0xb9: {  	_ =	sfence  }
0xba: {  	s30 =	sld [smem:$0x0];
	_ =	sdelay $0x2  }
0xbb: {  	s31 =	sshll.u32 s1, $0xD;
	s1 =	sshrl.u32 s1, $0x2  }
0xbc: {  	s3 =	sand.u32 $0x4000, s31;
	s1 =	sadd.s32 s1, s30  }
0xbd: {  	s0 =	sor.u32 s3, s0;
	s1 =	sshll.u32 s1, $0x11  }
0xbe: {  	s0 =	sor.u32 s1, s0  }
0xbf: {  	s0 =	sadd.s32 $0x8F2B, s0  }
0xc0: {  	[sflag:s0] =	ssyncadd.remote.s32 $0x1  }
0xc1: {  	_ =	sfence.sel $0xFFFF  }
0xc2: {  	[dreg:$0x0] =	wrdreg $0xFFFFFFFF;
	(pc) =	sbr.abs _section_cstart, $3  }
0xc3: {  	[dreg:$0x1] =	wrdreg $0xFFFFFFFF  }
0xc4: {  	_ =	task.clear_ibuf [dreg:s8], $0x2FFFF;
	_ =	strace $0x9FFFFFFF  }
0xc5: {  	(tm) =	ssettm $0x7FFFFFFF  }
tec
execute0_lowered:
.L_overlay_start_1:
0x0: {  	(tag) =	ssettag $0x1  }
0x1: {  	s0 =	rddreg [dreg:$0x0]  }
0x2: {  	s5 =	rddreg [dreg:$0x1]  }
0x3: {  	s6 =	rddreg [dreg:$0x2]  }
0x4: {  	s1 =	srdreg.scid;
	s3 =	rddreg [dreg:$0x3]  }
0x5: {  	s2 =	rddreg [dreg:$0x4];
	s7 =	sand.u32 $0x1, s1  }
0x6: {  	s4 =	simm.s32 $0x0;
	s1 =	stileid.u32;
	s8 =	smul.u32 $0x28000, s7  }
0x7: {  	s17 =	simm.s32 $0x80;
	s18 =	simm.s32 $0x5000;
	s9 =	smul.u32 $0x2800, s1  }
0x8: {  	s19 =	simm.s32 $0x1;
	s20 =	simm.s32 $0x0;
	s23 =	smul.u32 $0x4F000, s1  }
0x9: {  	[smem:$0x7FF] =	sst s4;
	s13 =	sadd.s32 $0xAE00, s6;
	s12 =	smul.u32 $0x2780, s1  }
0xa: {  	_ =	strace $0x80000047;
	s11 =	ssub.s32 $0x2, s7;
	s14 =	smul.u32 $0x138800, s7  }
0xb: {  	s26 =	smul.u32 $0x13C00, s1;
	p0 =	seq.s32 s1, $0xF;
	s24 =	sshrl.u32 s11, $0x1  }
0xc: {  	s15 =	sshll.u32 @!p0 s1, $0x6;
	s8 =	sadd.s32 s9, s8;
	s11 =	ssub.s32 s11, s24  }
0xd: {  	s25 =	sshrl.u32 s23, $0x2;
	s7 =	sadd.s32 s0, s12;
	s28 =	sadd.s32 s26, s14  }
0xe: {  	s29 =	sshrl.u32 s14, $0x3;
	s14 =	sadd.s32 $0x128400, s3;
	s12 =	simm.s32 $0x2  }
0xf: {  	s15 =	sor.u32 @!p0 $0x1C02, s15;
	s8 =	sshrl.u32 s8, $0x3;
	s16 =	sadd.s32 s25, s3  }
0x10: {  	s30 =	sshrl.u32 s28, $0x3;
	s31 =	sadd.s32 s13, s29;
	s11 =	smax.u32 s11, $0x1  }
0x11: {  	s14 =	sshrl.u32 @p0 s14, $0x3;
	s10 =	sadd.s32 s8, s6;
	s5 =	sadd.s32 s5, s8  }
0x12: {  	s8 =	sadd.s32 $0x25080, s0;
	s9 =	sadd.s32 s13, s30;
	s13 =	simm.s32 $0x2800  }
0x13: {  	s16 =	sshrl.u32 @!p0 s16, $0x3;
	s6 =	sadd.s32 $0xE00, s10;
	s10 =	sadd.s32 $0x25080, s31  }
.LBB2_1:
0x14: {  	[tilespmem:s4], [sflag:$0x2] =	stream.linear.gather [hbm4b:s5+s4], $0x2780, $0x38;
	[tilespmem:$0x1C8C0] =	vst v63  }
0x15: {  	_ =	swait.ge [sflag:s12], $0x2780  }
0x16: {  	[sflag:s12] =	ssyncset.done $0x0  }
0x17: {  	[sflag:s12] =	ssyncadd.s32 $0xFFFFD880  }
0x18: {  	[tilespmem:s13], [sflag:$0x2] =	stream.linear.gather [hbm4b:s6+s4], $0x2780, $0x38;
	[tilespmem:$0x1C8C0] =	vst v63  }
0x19: {  	_ =	swait.ge [sflag:s12], $0x2780  }
0x1a: {  	[sflag:s12] =	ssyncset.done $0x0  }
0x1b: {  	s21 =	simm.s32 @p0 $0x1FC2;
	[sflag:s12] =	ssyncadd.s32 $0xFFFFD880  }
0x1c: {  	[spmem:s14], [sflag:s21] =	dma.local @p0 [hbm:s8], $0x2080  }
0x1d: {  	s21 =	simm.s32 @p0 $0x2  }
0x1e: {  	_ =	swait.ge @p0 [sflag:s21], $0x2080  }
0x1f: {  	[sflag:s21] =	ssyncset.done @p0 $0x0  }
0x20: {  	[sflag:s21] =	ssyncadd.s32 @p0 $0xFFFFDF80;
	s21 =	simm.s32 @!p0 $0x2  }
0x21: {  	[spmem:s16], [sflag:s15] =	dma.local @!p0 [hbm:s7], $0x2780  }
0x22: {  	_ =	swait.ge @!p0 [sflag:s21], $0x2780  }
0x23: {  	[sflag:s21] =	ssyncset.done @!p0 $0x0  }
0x24: {  	[sflag:s21] =	ssyncadd.s32 @!p0 $0xFFFFD880  }
0x25: {  	s30 =	simm.s32 $0x2800;
	[bflag:$0x0] =	sbarrier.arrive $0xFFFF  }
0x26: {  	[tilespmem:s18], [sflag:$0x1] =	stream.indirect.gather [hbm4b:s0+s17], $0x80, s30, s17, $0xb8;
	[tilespmem:$0x1C8C0] =	vst v63  }
0x27: {  	_ =	swait.ge [sflag:s19], $0x4000  }
0x28: {  	[sflag:s19] =	ssyncset.done $0x0  }
0x29: {  	s31 =	simm.s32 $0x0;
	[sflag:s19] =	ssyncadd.s32 $0xFFFFC000  }
0x2a: {  	[spmem:s3] =	stream.indirect.scatter.add.f32 [tilespmem:s18], [sflag:$0x2], $0x80, s31, s17, $0xb8;
	[tilespmem:$0x1C8C0] =	vst v63  }
0x2b: {  	_ =	swait.ge [sflag:s12], $0x4000  }
0x2c: {  	s22 =	simm.s32 $0x400;
	s21 =	simm.s32 $0x80;
	[sflag:s12] =	ssyncset.done $0x0  }
.LBB2_2:
0x2d: {  	s23 =	sadd.s32 $0x2800, s21  }
0x2e: {  	[sflag:s12] =	ssyncadd.s32 $0xFFFFC000;
	s24 =	smov.u32 s22;
	s25 =	sadd.s32 $0x200, s22  }
0x2f: {  	[tilespmem:s18], [sflag:$0x1] =	stream.indirect.gather [hbm4b:s0+s17], $0x80, s23, s17, $0xb8;
	[tilespmem:$0x1C8C0] =	vst v63  }
0x30: {  	p1 =	sne.s32 s22, $0x9C00;
	_ =	swait.ge [sflag:s19], $0x4000  }
.Ltmp0:
0x31: {  	[sflag:s19] =	ssyncset.done $0x0;
	(pc) =	sbr.rel @p1 .LBB2_2-.Ltmp0, $4  }
0x32: {  	[sflag:s19] =	ssyncadd.s32 $0xFFFFC000  }
0x33: {  	[spmem:s3] =	stream.indirect.scatter.add.f32 [tilespmem:s18], [sflag:$0x2], $0x80, s21, s17, $0xb8;
	[tilespmem:$0x1C8C0] =	vst v63  }
0x34: {  	_ =	swait.ge [sflag:s12], $0x4000  }
0x35: {  	s22 =	smov.u32 s25;
	s21 =	sshra.s32 s24, $0x2;
	[sflag:s12] =	ssyncset.done $0x0  }
0x36: {  	s22 =	sadd.s32 $0x2800, s21;
	[sflag:s12] =	ssyncadd.s32 $0xFFFFC000  }
0x37: {  	[tilespmem:s18], [sflag:$0x1] =	stream.indirect.gather [hbm4b:s0+s17], $0x80, s22, s17, $0xb8;
	[tilespmem:$0x1C8C0] =	vst v63  }
0x38: {  	_ =	swait.ge [sflag:s19], $0x4000  }
0x39: {  	[sflag:s19] =	ssyncset.done $0x0  }
0x3a: {  	[sflag:s19] =	ssyncadd.s32 $0xFFFFC000  }
0x3b: {  	[spmem:s3] =	stream.indirect.scatter.add.f32 [tilespmem:s18], [sflag:$0x2], $0x80, s21, s17, $0xb8;
	[tilespmem:$0x1C8C0] =	vst v63  }
0x3c: {  	_ =	swait.ge [sflag:s12], $0x4000  }
0x3d: {  	[sflag:s12] =	ssyncset.done $0x0  }
0x3e: {  	[sflag:s12] =	ssyncadd.s32 $0xFFFFC000  }
0x3f: {  	s21 =	simm.s32 @p0 $0x1FC2;
	[bflag:$0x0] =	sbarrier.arrive $0xFFFF  }
0x40: {  	[hbm:s10], [sflag:s21] =	dma.local @p0 [spmem:s14], $0x2080  }
0x41: {  	s21 =	simm.s32 @p0 $0x2  }
0x42: {  	s20 =	sadd.s32 $0x1, s20;
	_ =	swait.ge @p0 [sflag:s21], $0x2080  }
0x43: {  	p1 =	sne.s32 s20, s11;
	[sflag:s21] =	ssyncset.done @p0 $0x0  }
.Ltmp1:
0x44: {  	[sflag:s21] =	ssyncadd.s32 @p0 $0xFFFFDF80;
	s21 =	simm.s32 @!p0 $0x2;
	(pc) =	sbr.rel @p1 .LBB2_1-.Ltmp1, $4  }
0x45: {  	[hbm:s9], [sflag:s15] =	dma.local @!p0 [spmem:s16], $0x2780  }
0x46: {  	_ =	swait.ge @!p0 [sflag:s21], $0x2780  }
0x47: {  	[sflag:s21] =	ssyncset.done @!p0 $0x0  }
0x48: {  	[sflag:s21] =	ssyncadd.s32 @!p0 $0xFFFFD880  }
0x49: {  	_ =	sfence.sel $0x180000  }
0x4a: {  	[bflag:$0x0] =	sbarrier.arrive $0xFFFF  }
0x4b: {  	p0 =	sne.s32 s1, $0x0;
	_ =	strace $0x90000047  }
0x4c: {  	s0 =	sadd.s32 @!p0 $0x100000, s2;
	[bflag:$0x2] =	sbarrier.arrive $0xFFFF  }
0x4d: {  	[sflag:s0] =	ssyncadd.tile.s32 @!p0 $0x1;
	_ =	shalt  }
.Lfunc_end2:
_tile_overlayer_lowered:
.L_overlay_start_2:
0x4e: {  	(tag) =	ssettag $0x2  }
0x4f: {  	s0 =	rddreg [dreg:$0x0];
	s2 =	stileid.u32  }
0x50: {  	s1 =	rddreg [dreg:$0x1];
	p0 =	sne.s32 s2, $0x0  }
0x51: {  	s3 =	rddreg [dreg:$0x2];
	[bflag:$0x3] =	sbarrier.arrive $0xFFFF;
	s2 =	simm.s32 @!p0 $0x1C02  }
0x52: {  	[timem:s3], [sflag:s2] =	dma.local @!p0 [hbm:s0], s1  }
0x53: {  	s0 =	simm.s32 @!p0 $0x2  }
0x54: {  	_ =	swait.ge @!p0 [sflag:s0], s1  }
0x55: {  	s1 =	ssub.s32 @!p0 $0x0, s1;
	[sflag:s0] =	ssyncset.done @!p0 $0x0  }
0x56: {  	[sflag:s0] =	ssyncadd.s32 @!p0 s1  }
0x57: {  	[bflag:$0x3] =	sbarrier.arrive $0xFFFF  }
0x58: {  	_ =	shalt  }

</sc_bundles>
